<compile_context>
chip_gen: v7x
topology: tpu7x:2x2x1
jax: 0.10.2.dev20260603
libtpu: 0.0.44.dev20260713+nightly
codegen_flags: <defaults>
</compile_context>

<pallas_src>
import functools

import jax
import jax.numpy as jnp
from jax import lax
from jax.experimental import pallas as pl
from jax.experimental.pallas import tpu as pltpu
from jax.experimental.pallas import tpu_sc as plsc

B = 16384
N_FIELDS = 26
VOCAB = 100000
EMB_DIM = 16
N_DENSE = 13
N_CH = 8
TEMP = 0.1
KEEP_PROB = 0.8

TOTAL = B * N_FIELDS
D_SP = N_FIELDS * EMB_DIM
D_DN = N_DENSE * EMB_DIM
D_OUT = D_SP + D_DN
H = N_DENSE * N_CH

NW = 16
PER_W = TOTAL // NW
CHUNK = 3328
N_CHUNKS = PER_W // CHUNK
LANES = 16


def _sc_gather_kernel(ids_hbm, table_hbm, out_hbm, ids_v, idx_v, rows_v, sem):
    wid = lax.axis_index("s")
    base_w = wid * PER_W
    iota = lax.iota(jnp.int32, LANES)

    def chunk_body(ci, _):
        base = base_w + ci * CHUNK
        pltpu.sync_copy(ids_hbm.at[pl.ds(base, CHUNK)], ids_v)

        def vec_body(j, _):
            off = pl.multiple_of(j * LANES, LANES)
            pos = (base + off) + iota
            field = pos % N_FIELDS
            idx_v[pl.ds(off, LANES)] = ids_v[pl.ds(off, LANES)] + field * VOCAB
            return 0

        lax.fori_loop(0, CHUNK // LANES, vec_body, 0)
        pltpu.async_copy(table_hbm.at[idx_v], rows_v, sem).wait()
        pltpu.sync_copy(rows_v, out_hbm.at[pl.ds(base, CHUNK)])
        return 0

    lax.fori_loop(0, N_CHUNKS, chunk_body, 0)


@jax.jit
def _sc_gather(ids_flat, table):
    mesh = plsc.VectorSubcoreMesh(core_axis_name="c", subcore_axis_name="s", num_cores=1)
    return pl.kernel(
        _sc_gather_kernel,
        mesh=mesh,
        compiler_params=pltpu.CompilerParams(use_tc_tiling_on_sc=False),
        out_type=jax.ShapeDtypeStruct((TOTAL, EMB_DIM), jnp.float32),
        scratch_types=[
            pltpu.VMEM((CHUNK,), jnp.int32),
            pltpu.VMEM((CHUNK,), jnp.int32),
            pltpu.VMEM((CHUNK, EMB_DIM), jnp.float32),
            pltpu.SemaphoreType.DMA,
        ],
    )(ids_flat, table)


def _bfly(x, pos, k, op):
    left = jnp.roll(x, -k, axis=1)
    right = jnp.roll(x, k, axis=1)
    partner = jnp.where((pos % (2 * k)) < k, left, right)
    return op(x, partner)


def _autodis_kernel(sparse_ref, dense_ref, w1_ref, m2_ref, m3_ref, out_ref):
    out_ref[:, :D_SP] = sparse_ref[:]
    d = dense_ref[:]
    h = jnp.dot(d, w1_ref[:], preferred_element_type=jnp.float32,
                precision=lax.Precision.HIGHEST)
    h = jnp.where(h >= 0, h, 0.01 * h)
    xb = jnp.dot(h, m2_ref[:], preferred_element_type=jnp.float32,
                 precision=lax.Precision.HIGHEST)
    xb = xb * (1.0 / TEMP)
    pos = lax.broadcasted_iota(jnp.int32, xb.shape, 1)
    mx = xb
    for k in (4, 2, 1):
        mx = _bfly(mx, pos, k, jnp.maximum)
    e = jnp.exp(xb - mx)
    s = e
    for k in (4, 2, 1):
        s = _bfly(s, pos, k, jnp.add)
    xh = e / s
    emb = jnp.dot(xh, m3_ref[:], preferred_element_type=jnp.float32,
                  precision=lax.Precision.HIGHEST)
    out_ref[:, D_SP:] = emb


@jax.jit
def _tc_autodis(sparse_out, dense_input, w1, m2, m3):
    nb = 512
    return pl.pallas_call(
        _autodis_kernel,
        grid=(B // nb,),
        in_specs=[
            pl.BlockSpec((nb, D_SP), lambda i: (i, 0)),
            pl.BlockSpec((nb, N_DENSE), lambda i: (i, 0)),
            pl.BlockSpec((N_DENSE, H), lambda i: (0, 0)),
            pl.BlockSpec((H, H), lambda i: (0, 0)),
            pl.BlockSpec((H, D_DN), lambda i: (0, 0)),
        ],
        out_specs=pl.BlockSpec((nb, D_OUT), lambda i: (i, 0)),
        out_shape=jax.ShapeDtypeStruct((B, D_OUT), jnp.float32),
    )(sparse_out, dense_input, w1, m2, m3)


def _expand_params(meta_emb, proj_w, proj_m):
    n = jnp.arange(N_DENSE)
    w1 = jnp.zeros((N_DENSE, H), jnp.float32)
    w1 = w1.at[n[:, None], n[:, None] * N_CH + jnp.arange(N_CH)[None, :]].set(
        proj_w)
    blk2 = jnp.transpose(proj_m, (0, 2, 1)) + KEEP_PROB * jnp.eye(N_CH)
    m2 = jnp.zeros((H, H), jnp.float32)
    r = n[:, None, None] * N_CH + jnp.arange(N_CH)[None, :, None]
    c = n[:, None, None] * N_CH + jnp.arange(N_CH)[None, None, :]
    m2 = m2.at[r, c].set(blk2)
    m3 = jnp.zeros((H, D_DN), jnp.float32)
    c3 = n[:, None, None] * EMB_DIM + jnp.arange(EMB_DIM)[None, None, :]
    r3 = n[:, None, None] * N_CH + jnp.arange(N_CH)[None, :, None]
    m3 = m3.at[r3, c3].set(meta_emb)
    return w1, m2, m3


def kernel(sparse_ids, dense_input, table, meta_emb, proj_w, proj_m):
    ids_flat = sparse_ids.reshape(TOTAL).astype(jnp.int32)
    rows = _sc_gather(ids_flat, table)
    w1, m2, m3 = _expand_params(meta_emb, proj_w, proj_m)
    return _tc_autodis(rows.reshape(B, D_SP), dense_input, w1, m2, m3)

# --- scband reference (transcript-rebuilt; emitter-appended) ---
"""Pipeline reference for scband-embedding-group-60825326846707 (READ-ONLY COPY).

The authoritative reference and input builder live on the scoring server;
editing this copy changes nothing except your own understanding.
"""

import jax, jax.numpy as jnp
import numpy as np

B = 16384
N_FIELDS = 26
VOCAB = 100000
EMB_DIM = 16
N_DENSE = 13
N_CH = 8
TEMP = 0.1
KEEP_PROB = 0.8


def setup_inputs(seed: int = 0) -> dict:
    key = jax.random.key(seed)
    k1, k2, k3, k4, k5, k6 = jax.random.split(key, 6)
    sparse_ids = jax.random.randint(k1, (B, N_FIELDS), 0, VOCAB, dtype=jnp.int64) if jax.config.jax_enable_x64 else jax.random.randint(k1, (B, N_FIELDS), 0, VOCAB, dtype=jnp.int32)
    dense_input = jax.random.normal(k2, (B, N_DENSE), dtype=jnp.float32)
    # learned parameters
    table = jax.random.normal(k3, (N_FIELDS * VOCAB, EMB_DIM), dtype=jnp.float32) * 0.01
    meta_emb = jax.random.normal(k4, (N_DENSE, N_CH, EMB_DIM), dtype=jnp.float32)
    proj_w = jax.random.normal(k5, (N_DENSE, N_CH), dtype=jnp.float32)
    proj_m = jax.random.normal(k6, (N_DENSE, N_CH, N_CH), dtype=jnp.float32)
    return {
        "sparse_ids": sparse_ids,
        "dense_input": dense_input,
        "table": table,
        "meta_emb": meta_emb,
        "proj_w": proj_w,
        "proj_m": proj_m,
    }


def _autodis(dense_input, meta_emb, proj_w, proj_m):
    # hidden = leaky_relu(einsum('nc,bn->bnc', proj_w, dense_input))
    hidden = jax.nn.leaky_relu(jnp.einsum("nc,bn->bnc", proj_w, dense_input))
    # x_bar = einsum('nij,bnj->bni', proj_m, hidden) + keep_prob * hidden
    x_bar = jnp.einsum("nij,bnj->bni", proj_m, hidden) + KEEP_PROB * hidden
    x_hat = jax.nn.softmax(x_bar / TEMP, axis=-1)
    # emb = einsum('ncd,bnc->bnd', meta_emb, x_hat)
    emb = jnp.einsum("ncd,bnc->bnd", meta_emb, x_hat)
    return emb.reshape((-1, N_DENSE * EMB_DIM))


def reference(sparse_ids, dense_input, table, meta_emb, proj_w, proj_m):
    # sparse embedding-group lookup: each field has its own row-range in the
    # fused table (equivalent to per-feature EmbeddingBag with bag size 1).
    offsets = jnp.arange(N_FIELDS, dtype=sparse_ids.dtype) * VOCAB
    idx = sparse_ids + offsets[None, :]                 # [B, N_FIELDS]
    sparse_emb = jnp.take(table, idx, axis=0)           # [B, N_FIELDS, EMB_DIM]
    sparse_out = sparse_emb.reshape((sparse_emb.shape[0], N_FIELDS * EMB_DIM))
    # dense features through AutoDis embedding
    dense_out = _autodis(dense_input, meta_emb, proj_w, proj_m)
    # group output: concatenate per-feature embeddings along last dim
    return jnp.concatenate([sparse_out, dense_out], axis=-1)

if __name__ == "__main__":
    import jax
    _d = setup_inputs()
    print(jax.jit(kernel)(*tuple(_d.values())))

</pallas_src>

<mosaic_0001>
#map = affine_map<(d0, d1) -> (0)>
#map1 = affine_map<(d0, d1) -> (0, 0)>
module attributes {stable_mosaic.version = 14 : i64} {
  func.func @_sc_gather_kernel(%arg0: i32, %arg1: i32, %arg2: memref<425984xi32, #tpu.memory_space<hbm>>, %arg3: memref<2600000x16xf32, #tpu.memory_space<hbm>>, %arg4: memref<425984x16xf32, #tpu.memory_space<hbm>>, %arg5: memref<3328xi32, #tpu.memory_space<vmem>>, %arg6: memref<3328xi32, #tpu.memory_space<vmem>>, %arg7: memref<3328x16xf32, #tpu.memory_space<vmem>>, %arg8: memref<!tpu.dma_semaphore, #tpu.memory_space<semaphore_mem>>) attributes {dimension_semantics = [#tpu.dimension_semantics<core_parallel>, #tpu.dimension_semantics<subcore_parallel>], iteration_bounds = array<i64: 1, 16>, scalar_prefetch = 0 : i64, scratch_operands = 4 : i64, tpu.core_type = #tpu.core_type<sc_vector_subcore>, window_params = [{transform_indices = #map}, {transform_indices = #map1}, {transform_indices = #map1}]} {
    %mul3A = arith.constant 26624 : i32
    %mul3A_0 = arith.muli %arg1, %mul3A : i32
    %iota3A = tpu.iota {dimensions = array<i32: 0>} : vector<16xi32>
    %scan3A = arith.constant 0 : i32
    %scan3A_1 = arith.constant 0 : i32
    %scan3A_2 = arith.constant 8 : i32
    %scan3A_3 = arith.addi %scan3A_1, %scan3A_2 : i32
    %scan3A_4 = arith.constant 1 : i32
    %scan3A_5 = scf.for %scan3A_7 = %scan3A_1 to %scan3A_3 step %scan3A_4 iter_args(%scan3A_8 = %scan3A) -> (i32)  : i32 {
      %mul3A_9 = arith.constant 3328 : i32
      %mul3A_10 = arith.muli %scan3A_7, %mul3A_9 : i32
      %add3A = arith.addi %mul3A_0, %mul3A_10 : i32
      "tpu.region"() ({
        %run_scoped3A = tpu.sem_alloc : memref<!tpu.dma_semaphore, #tpu.memory_space<semaphore_mem>>
        %dma_start3A_23 = tpu.memref_slice %arg2[%add3A] : memref<425984xi32, #tpu.memory_space<hbm>> -> memref<3328xi32, #tpu.memory_space<hbm>>
        %dma_start3A_24 = tpu.memref_slice %arg2[%add3A] : memref<425984xi32, #tpu.memory_space<hbm>> -> memref<3328xi32, #tpu.memory_space<hbm>>
        tpu.enqueue_dma source(%dma_start3A_24 : memref<3328xi32, #tpu.memory_space<hbm>>) target(%arg5 : memref<3328xi32, #tpu.memory_space<vmem>>) target_semaphore(%run_scoped3A : memref<!tpu.dma_semaphore, #tpu.memory_space<semaphore_mem>>)
        %dma_wait3A_25 = tpu.memref_slice %arg2[%add3A] : memref<425984xi32, #tpu.memory_space<hbm>> -> memref<3328xi32, #tpu.memory_space<hbm>>
        %dma_wait3A_26 = tpu.memref_slice %arg2[%add3A] : memref<425984xi32, #tpu.memory_space<hbm>> -> memref<3328xi32, #tpu.memory_space<hbm>>
        tpu.wait_dma2 semaphore(%run_scoped3A : memref<!tpu.dma_semaphore, #tpu.memory_space<semaphore_mem>>) src(%dma_wait3A_26 : memref<3328xi32, #tpu.memory_space<hbm>>) dst(%arg5 : memref<3328xi32, #tpu.memory_space<vmem>>)
        tpu.yield
      }) : () -> ()
      %scan3A_11 = arith.constant 0 : i32
      %scan3A_12 = arith.constant 0 : i32
      %scan3A_13 = arith.constant 208 : i32
      %scan3A_14 = arith.addi %scan3A_12, %scan3A_13 : i32
      %scan3A_15 = arith.constant 1 : i32
      %scan3A_16 = scf.for %scan3A_23 = %scan3A_12 to %scan3A_14 step %scan3A_15 iter_args(%scan3A_24 = %scan3A_11) -> (i32)  : i32 {
        %mul3A_25 = arith.constant 16 : i32
        %mul3A_26 = arith.muli %scan3A_23, %mul3A_25 : i32
        %multiple_of3A = tpu.assume_multiple %mul3A_26, 16 : i32
        %add3A_27 = arith.addi %add3A, %multiple_of3A : i32
        %add3A_28 = vector.broadcast %add3A_27 : i32 to vector<16xi32>
        %add3A_29 = arith.addi %add3A_28, %iota3A : vector<16xi32>
        %jit3A = arith.constant 26 : i32
        %eq3A = arith.constant 0 : i32
        %eq3A_30 = arith.cmpi eq, %jit3A, %eq3A : i32
        %jit3A_31 = arith.constant 1 : i32
        %select_n3A = arith.select %eq3A_30, %jit3A_31, %jit3A : i32
        %rem3A = vector.broadcast %select_n3A : i32 to vector<16xi32>
        %rem3A_32 = arith.remsi %add3A_29, %rem3A : vector<16xi32>
        %ne3A = arith.constant 0 : i32
        %ne3A_33 = vector.broadcast %ne3A : i32 to vector<16xi32>
        %ne3A_34 = arith.cmpi ne, %rem3A_32, %ne3A_33 : vector<16xi32>
        %lt3A = arith.constant 0 : i32
        %lt3A_35 = vector.broadcast %lt3A : i32 to vector<16xi32>
        %lt3A_36 = arith.cmpi slt, %rem3A_32, %lt3A_35 : vector<16xi32>
        %lt3A_37 = arith.constant 0 : i32
        %lt3A_38 = arith.cmpi slt, %select_n3A, %lt3A_37 : i32
        %ne3A_39 = vector.broadcast %lt3A_38 : i1 to vector<16xi1>
        %ne3A_40 = vector.broadcast %ne3A_39 : vector<16xi1> to vector<16xi1>
        %ne3A_41 = arith.xori %lt3A_36, %ne3A_40 : vector<16xi1>
        %and3A = arith.andi %ne3A_41, %ne3A_34 : vector<16xi1>
        %add3A_42 = vector.broadcast %select_n3A : i32 to vector<16xi32>
        %add3A_43 = arith.addi %rem3A_32, %add3A_42 : vector<16xi32>
        %select_n3A_44 = arith.select %and3A, %add3A_43, %rem3A_32 : vector<16xi1>, vector<16xi32>
        %get3A = arith.index_cast %multiple_of3A : i32 to index
        %get3A_45 = tpu.vector_load %arg5[%get3A] {strides = array<i32>} : memref<3328xi32, #tpu.memory_space<vmem>>, vector<16xi32>,
        %get3A_46 = vector.shape_cast %get3A_45 : vector<16xi32> to vector<16xi32>
        %mul3A_47 = arith.constant 100000 : i32
        %mul3A_48 = vector.broadcast %mul3A_47 : i32 to vector<16xi32>
        %mul3A_49 = arith.muli %select_n3A_44, %mul3A_48 : vector<16xi32>
        %add3A_50 = arith.addi %get3A_46, %mul3A_49 : vector<16xi32>
        %swap3A = arith.index_cast %multiple_of3A : i32 to index
        %swap3A_51 = tpu.vector_load %arg6[%swap3A] {strides = array<i32>} : memref<3328xi32, #tpu.memory_space<vmem>>, vector<16xi32>,
        %swap3A_52 = vector.shape_cast %swap3A_51 : vector<16xi32> to vector<16xi32>
        %swap3A_53 = vector.shape_cast %add3A_50 : vector<16xi32> to vector<16xi32>
        tpu.vector_store %arg6[%swap3A], %swap3A_53 {strides = array<i32>} : memref<3328xi32, #tpu.memory_space<vmem>>, vector<16xi32>,
        %scan3A_54 = arith.constant 0 : i32
        scf.yield %scan3A_54 : i32
      }
      %scan3A_17 = arith.constant 208 : i32
      %dma_start3A = arith.constant 0 : i32
      %dma_start3A_18 = arith.constant 0 : i32
      %dma_start3A_19 = tpu.memref_slice %arg3[%dma_start3A, %dma_start3A_18] : memref<2600000x16xf32, #tpu.memory_space<hbm>> -> memref<2600000x16xf32, #tpu.memory_space<hbm>>
      tpu.enqueue_indirect_dma source(%dma_start3A_19 : memref<2600000x16xf32, #tpu.memory_space<hbm>>) target(%arg7 : memref<3328x16xf32, #tpu.memory_space<vmem>>) offsets(%arg6 : memref<3328xi32, #tpu.memory_space<vmem>>) semaphore(%arg8 : memref<!tpu.dma_semaphore, #tpu.memory_space<semaphore_mem>>)
      %dma_wait3A = arith.constant 0 : i32
      %dma_wait3A_20 = arith.constant 0 : i32
      %dma_wait3A_21 = tpu.memref_slice %arg3[%dma_wait3A, %dma_wait3A_20] : memref<2600000x16xf32, #tpu.memory_space<hbm>> -> memref<2600000x16xf32, #tpu.memory_space<hbm>>
      tpu.wait_indirect_dma semaphore(%arg8 : memref<!tpu.dma_semaphore, #tpu.memory_space<semaphore_mem>>) src(%dma_wait3A_21 : memref<2600000x16xf32, #tpu.memory_space<hbm>>) dst(%arg7 : memref<3328x16xf32, #tpu.memory_space<vmem>>)
      "tpu.region"() ({
        %run_scoped3A = tpu.sem_alloc : memref<!tpu.dma_semaphore, #tpu.memory_space<semaphore_mem>>
        %dma_start3A_23 = arith.constant 0 : i32
        %dma_start3A_24 = tpu.memref_slice %arg4[%add3A, %dma_start3A_23] : memref<425984x16xf32, #tpu.memory_space<hbm>> -> memref<3328x16xf32, #tpu.memory_space<hbm>>
        %dma_start3A_25 = arith.constant 0 : i32
        %dma_start3A_26 = tpu.memref_slice %arg4[%add3A, %dma_start3A_25] : memref<425984x16xf32, #tpu.memory_space<hbm>> -> memref<3328x16xf32, #tpu.memory_space<hbm>>
        tpu.enqueue_dma source(%arg7 : memref<3328x16xf32, #tpu.memory_space<vmem>>) target(%dma_start3A_26 : memref<3328x16xf32, #tpu.memory_space<hbm>>) target_semaphore(%run_scoped3A : memref<!tpu.dma_semaphore, #tpu.memory_space<semaphore_mem>>)
        %dma_wait3A_27 = arith.constant 0 : i32
        %dma_wait3A_28 = tpu.memref_slice %arg4[%add3A, %dma_wait3A_27] : memref<425984x16xf32, #tpu.memory_space<hbm>> -> memref<3328x16xf32, #tpu.memory_space<hbm>>
        %dma_wait3A_29 = arith.constant 0 : i32
        %dma_wait3A_30 = tpu.memref_slice %arg4[%add3A, %dma_wait3A_29] : memref<425984x16xf32, #tpu.memory_space<hbm>> -> memref<3328x16xf32, #tpu.memory_space<hbm>>
        tpu.wait_dma2 semaphore(%run_scoped3A : memref<!tpu.dma_semaphore, #tpu.memory_space<semaphore_mem>>) src(%arg7 : memref<3328x16xf32, #tpu.memory_space<vmem>>) dst(%dma_wait3A_30 : memref<3328x16xf32, #tpu.memory_space<hbm>>)
        tpu.yield
      }) : () -> ()
      %scan3A_22 = arith.constant 0 : i32
      scf.yield %scan3A_22 : i32
    }
    %scan3A_6 = arith.constant 8 : i32
    return
  }
}

</mosaic_0001>

<sc_bundles>
// kernel: _sc_gather.3.cloned.1.call-start
scs
__scs_entry_jumppad:
0x0: {  	(pc) =	sbr.rel $0x88, $3  }
0x1: {  	(tag) =	ssettag $0x0;
	lr =	simm.s32 $0x1  }
0x2: {  	[smem:$0x3F9F] =	sst lr;
	_ =	strace $0xD0000000  }
0x3: {  	_ = 	snop  }
0x4: {  	_ = 	snop  }
0x5: {  	_ = 	snop  }
0x6: {  	_ = 	snop  }
0x7: {  	_ = 	snop  }
__scs_overlays_trampoline_lowered:
0x8: {  	[smem:$0x3FAE] =	sst s0  }
0x9: {  	[smem:$0x3FAF] =	sst s1  }
0xa: {  	[smem:$0x3FB0] =	sst s2  }
0xb: {  	[smem:$0x3FB1] =	sst s3  }
0xc: {  	[smem:$0x3FB2] =	sst s4  }
0xd: {  	[smem:$0x3FB3] =	sst s5  }
0xe: {  	[smem:$0x3FB4] =	sst s6  }
0xf: {  	[smem:$0x3FB5] =	sst s7  }
0x10: {  	[smem:$0x3FB6] =	sst s8  }
0x11: {  	[smem:$0x3FB7] =	sst s9;
	s0 =	simm.s32 @!p0 $0x0  }
0x12: {  	s1 =	sld [smem:$0x3F9D];
	s0 =	simm.s32 @p0 $0x1  }
0x13: {  	[smem:$0x3FB8] =	sst s0;
	s0 =	simm.s32 @!p1 $0x0  }
0x14: {  	s2 =	sld [smem:$0x3F9C];
	s0 =	simm.s32 @p1 $0x1  }
0x15: {  	[smem:$0x3FB9] =	sst s0;
	s0 =	simm.s32 @!p2 $0x0  }
0x16: {  	s3 =	sld [smem:$0x3FDB];
	s0 =	simm.s32 @p2 $0x1  }
0x17: {  	s4 =	simm.s32 $0x1BF5;
	[smem:$0x3FBB] =	sst s0  }
0x18: {  	s0 =	sld [smem:$0x3F9E];
	_ =	swait.ge [sflag:s4], $0x0  }
0x19: {  	s7 =	sld [smem:$0x3F9F]  }
0x1a: {  	s8 =	sadd.s32 $0xFFFFE003, lr  }
0x1b: {  	s9 =	sadd.s32 $0xFFFFFEF7, lr;
	s5 =	simm.s32 $0xFFFFFFFF;
	p2 =	slt.u32 s8, $0xFFFFF086  }
0x1c: {  	p1 =	slt.u32 s9, $0xF7A;
	s5 =	simm.s32 @!p2 $0x0  }
0x1d: {  	s5 =	simm.s32 @p1 $0x1;
	p0 =	seq.s32 s7, s2  }
0x1e: {  	s7 =	smul.u32 @!p0 $0xF7A, s2;
	p2 =	seq.s32 @!p0 s5, $0x0  }
0x1f: {  	s9 =	smul.u32 $0xF7A, s1;
	s8 =	simm.s32 @!p0 $0x1BF5;
	p2 =	por !p2, p0  }
0x20: {  	[sflag:s8] =	ssyncset.s32 @!p0 $0xFFFFF086;
	s6 =	sadd.s32 @!p0 s3, s7;
	s7 =	simm.s32 @!p0 $0x108  }
0x21: {  	s3 =	sadd.s32 s3, s9;
	s6 =	sadd.s32 @!p0 $0x88, s6;
	s7 =	simm.s32 @p2 $0x1082  }
0x22: {  	[simem:s7], [sflag:s8] =	dma.local @!p0 [hbm:s6], $0xF7A  }
0x23: {  	s9 =	sor.u32 $0xD0000000, s2;
	s6 =	simm.s32 $0x108;
	_ =	swait.ge @!p0 [sflag:s8], $0x0  }
0x24: {  	s3 =	sadd.s32 $0x88, s3;
	s6 =	simm.s32 @!p1 $0x1082;
	[sflag:s4] =	ssyncset.s32 $0xFFFFF086  }
0x25: {  	[simem:s6], [sflag:s4] =	dma.local [hbm:s3], $0xF7A  }
0x26: {  	[smem:$0x3F9F] =	sst s1;
	(tag) =	ssettag s2;
	_ =	strace s9  }
0x27: {  	s1 =	sld [smem:$0x3FAF]  }
0x28: {  	s2 =	sld [smem:$0x3FB0]  }
0x29: {  	s4 =	sld [smem:$0x3FB2]  }
0x2a: {  	p0 =	seq.s32 s5, $0x0;
	s5 =	sld [smem:$0x3FB3]  }
0x2b: {  	s6 =	sld [smem:$0x3FB4]  }
0x2c: {  	s7 =	sld [smem:$0x3FB5]  }
0x2d: {  	s3 =	simm.s32 $0x108;
	s8 =	sld [smem:$0x3FB6]  }
0x2e: {  	s3 =	simm.s32 @!p0 $0x1082;
	s9 =	sld [smem:$0x3FB7]  }
0x2f: {  	lr =	sadd.s32 s0, s3;
	s0 =	sld [smem:$0x3FAE]  }
0x30: {  	s3 =	sld [smem:$0x3FB1]  }
0x31: {  	[smem:$0x3FBA] =	sst s10  }
0x32: {  	s10 =	sld [smem:$0x3FB8];
	_ =	sdelay $0x3  }
0x33: {  	p0 =	seq.s32 s10, $0x1;
	s10 =	sld [smem:$0x3FBA];
	_ =	sdelay $0x3  }
0x34: {  	[smem:$0x3FBA] =	sst s10  }
0x35: {  	s10 =	sld [smem:$0x3FB9];
	_ =	sdelay $0x3  }
0x36: {  	p1 =	seq.s32 s10, $0x1;
	s10 =	sld [smem:$0x3FBA];
	_ =	sdelay $0x3  }
0x37: {  	[smem:$0x3FBA] =	sst s10  }
0x38: {  	s10 =	sld [smem:$0x3FBB]  }
0x39: {  	_ = 	snop;
	(pc) =	sbr.ind lr, $3  }
0x3a: {  	_ = 	snop  }
0x3b: {  	_ = 	snop  }
0x3c: {  	p2 =	seq.s32 s10, $0x1;
	s10 =	sld [smem:$0x3FBA]  }
0x3d: {  	_ =	shalt  }
0x3e: {  	_ =	shalt  }
0x3f: {  	_ =	shalt  }
0x40: {  	_ =	shalt  }
0x41: {  	_ =	shalt  }
0x42: {  	_ =	shalt  }
0x43: {  	_ =	shalt  }
0x44: {  	_ =	shalt  }
0x45: {  	_ =	shalt  }
0x46: {  	_ =	shalt  }
0x47: {  	_ =	shalt  }
0x48: {  	_ =	shalt  }
0x49: {  	_ =	shalt  }
0x4a: {  	_ =	shalt  }
0x4b: {  	_ =	shalt  }
0x4c: {  	_ =	shalt  }
0x4d: {  	_ =	shalt  }
0x4e: {  	_ =	shalt  }
0x4f: {  	_ =	shalt  }
0x50: {  	_ =	shalt  }
0x51: {  	_ =	shalt  }
0x52: {  	_ =	shalt  }
0x53: {  	_ =	shalt  }
0x54: {  	_ =	shalt  }
0x55: {  	_ =	shalt  }
0x56: {  	_ =	shalt  }
0x57: {  	_ =	shalt  }
0x58: {  	_ =	shalt  }
0x59: {  	_ =	shalt  }
0x5a: {  	_ =	shalt  }
0x5b: {  	_ =	shalt  }
0x5c: {  	_ =	shalt  }
0x5d: {  	_ =	shalt  }
0x5e: {  	_ =	shalt  }
0x5f: {  	_ =	shalt  }
0x60: {  	_ =	shalt  }
0x61: {  	_ =	shalt  }
0x62: {  	_ =	shalt  }
0x63: {  	_ =	shalt  }
0x64: {  	_ =	shalt  }
0x65: {  	_ =	shalt  }
0x66: {  	_ =	shalt  }
0x67: {  	_ =	shalt  }
0x68: {  	_ =	shalt  }
0x69: {  	_ =	shalt  }
0x6a: {  	_ =	shalt  }
0x6b: {  	_ =	shalt  }
0x6c: {  	_ =	shalt  }
0x6d: {  	_ =	shalt  }
0x6e: {  	_ =	shalt  }
0x6f: {  	_ =	shalt  }
0x70: {  	_ =	shalt  }
0x71: {  	_ =	shalt  }
0x72: {  	_ =	shalt  }
0x73: {  	_ =	shalt  }
0x74: {  	_ =	shalt  }
0x75: {  	_ =	shalt  }
0x76: {  	_ =	shalt  }
0x77: {  	_ =	shalt  }
0x78: {  	_ =	shalt  }
0x79: {  	_ =	shalt  }
0x7a: {  	_ =	shalt  }
0x7b: {  	_ =	shalt  }
0x7c: {  	_ =	shalt  }
0x7d: {  	_ =	shalt  }
0x7e: {  	_ =	shalt  }
0x7f: {  	_ =	shalt  }
0x80: {  	_ =	shalt  }
0x81: {  	_ =	shalt  }
0x82: {  	_ =	shalt  }
0x83: {  	_ =	shalt  }
0x84: {  	_ =	shalt  }
0x85: {  	_ =	shalt  }
0x86: {  	_ =	shalt  }
0x87: {  	_ =	shalt  }
.Lfunc_end0:
.L_simem_size_0:
called_computation_lowered:
.L_overlay_start_0:
0x88: {  	s0 =	sld [smem:$0x3FD9]  }
0x89: {  	s1 =	sld [smem:$0x3FFE];
	_ =	sdelay $0x3  }
0x8a: {  	s0 =	sadd.s32 s1, s0  }
0x8b: {  	[smem:$0x3FC6] =	sst s0  }
0x8c: {  	_ = 	snop  }
0x8d: {  	s0 =	sld [smem:$0x3FC9]  }
0x8e: {  	s16 =	sld [smem:$0x3FD0];
	(tm) =	ssettm $0x1  }
0x8f: {  	s2 =	sld [smem:$0x3FFB];
	_ =	sdelay $0x3  }
0x90: {  	_ =	strace s2  }
0x91: {  	s2 =	sld [smem:$0x3FFC];
	_ =	sdelay $0x3  }
0x92: {  	_ =	strace s2  }
0x93: {  	s2 =	sld [smem:$0x3FFD];
	_ =	sdelay $0x3  }
0x94: {  	_ =	strace s2  }
0x95: {  	_ =	strace $0x8FFFFFFF  }
0x96: {  	s17 =	sld [smem:$0x3FDB];
	_ =	sdelay $0x1  }
0x97: {  	s3 =	simm.s32 $_scs_section_size  }
0x98: {  	s4 =	simm.s32 $_size__tile_overlayer_lowered;
	s5 =	simm.s32 $_tile_overlayer_lowered  }
0x99: {  	s20 =	simm.s32 $0x1BFF;
	s19 =	sshll.u32 s5, $0x1;
	s2 =	sadd.s32 s3, s17  }
0x9a: {  	s6 =	simm.s32 $0x0;
	s18 =	sshll.u32 s4, $0x1;
	s4 =	sadd.s32 s19, s2  }
0x9b: {  	[timem:s6], [sflag:s20] =	dma.local [hbm:s4], s18  }
0x9c: {  	_ =	swait.ge [sflag:s20], s18  }
0x9d: {  	s3 =	ssub.s32 $0x0, s18;
	[sflag:s20] =	ssyncset.done $0x0  }
0x9e: {  	[sflag:s20] =	ssyncadd.s32 s3;
	_ =	sdelay $0x1  }
0x9f: {  	s21 =	simm.s32 $0x1B8B  }
0xa0: {  	_ =	swait.ge [sflag:s21], $0x1  }
0xa1: {  	[sflag:s21] =	ssyncset.done $0x0  }
0xa2: {  	s23 =	simm.s32 $0x1B8E;
	s22 =	sld [smem:$0x3FFE];
	[sflag:s21] =	ssyncadd.s32 $0xFFFFFFFF  }
0xa3: {  	s24 =	simm.s32 $execute0_lowered;
	[smem:$0x3FD2] =	sst s23  }
0xa4: {  	s4 =	sshll.u32 s24, $0x1;
	_ =	strace $0x80000046;
	[dreg:$0x1] =	wrdreg $0xFFFFFFFF  }
0xa5: {  	s25 =	simm.s32 $_size_execute0_lowered;
	s2 =	sadd.s32 s2, s4;
	[dreg:$0x0] =	wrdreg $0x0  }
0xa6: {  	s4 =	sshll.u32 s25, $0x1;
	[dreg:$0x2] =	wrdreg s2  }
0xa7: {  	[dreg:$0x3] =	wrdreg s4  }
0xa8: {  	[dreg:$0x4] =	wrdreg $0xC0  }
0xa9: {  	_ =	task [dreg:s6], $0x5FFFF  }
0xaa: {  	[dreg:$0x1] =	wrdreg $0xFFFFFFFF  }
0xab: {  	[dreg:$0x0] =	wrdreg $0x60  }
0xac: {  	[dreg:$0x2] =	wrdreg s0  }
0xad: {  	[dreg:$0x3] =	wrdreg s22  }
0xae: {  	[dreg:$0x4] =	wrdreg s16  }
0xaf: {  	[dreg:$0x5] =	wrdreg $0x9  }
0xb0: {  	_ =	task.clear_ibuf [dreg:s6], $0x6FFFF;
	_ =	strace $0x90000046  }
0xb1: {  	s26 =	simm.s32 $0x9;
	_ =	strace $0x80000048  }
0xb2: {  	_ =	swait.ge [sflag:s26], $0x1  }
0xb3: {  	[sflag:s26] =	ssyncadd.s32 $0xFFFFFFFF  }
0xb4: {  	_ =	strace $0x90000048  }
0xb5: {  	_ =	sfence  }
0xb6: {  	s28 =	sld [smem:$0x0];
	_ =	sdelay $0x1  }
0xb7: {  	s29 =	srdreg.scid  }
0xb8: {  	s30 =	sshll.u32 s29, $0xD;
	s31 =	sshrl.u32 s29, $0x2  }
0xb9: {  	s1 =	sand.u32 $0x1, s29;
	s2 =	sand.u32 $0x4000, s30;
	s0 =	sadd.s32 s31, s28  }
0xba: {  	s1 =	sor.u32 s2, s1;
	s0 =	sshll.u32 s0, $0x11  }
0xbb: {  	s0 =	sor.u32 s0, s1  }
0xbc: {  	s0 =	sadd.s32 $0x8F2B, s0  }
0xbd: {  	[sflag:s0] =	ssyncadd.remote.s32 $0x1  }
0xbe: {  	_ =	sfence.sel $0xFFFF  }
0xbf: {  	[dreg:$0x0] =	wrdreg $0xFFFFFFFF;
	(pc) =	sbr.abs _section_cstart, $3  }
0xc0: {  	[dreg:$0x1] =	wrdreg $0xFFFFFFFF  }
0xc1: {  	_ =	task.clear_ibuf [dreg:s6], $0x2FFFF;
	_ =	strace $0x9FFFFFFF  }
0xc2: {  	(tm) =	ssettm $0x7FFFFFFF  }
0xc3: {  	_ =	shalt  }
tec
execute0_lowered:
.L_overlay_start_1:
0x0: {  	(tag) =	ssettag $0x1  }
0x1: {  	s1 =	rddreg [dreg:$0x0]  }
0x2: {  	s6 =	rddreg [dreg:$0x1]  }
0x3: {  	s3 =	rddreg [dreg:$0x2]  }
0x4: {  	s0 =	rddreg [dreg:$0x3]  }
0x5: {  	s4 =	simm.s32 $0x0;
	s2 =	stileid.u32;
	s7 =	simm.s32 $0x2  }
0x6: {  	s8 =	simm.s32 $0xD00;
	s9 =	simm.s32 $0x1A00;
	s5 =	smul.u32 $0x6800, s2  }
0x7: {  	s10 =	simm.s32 $0x1;
	s12 =	simm.s32 $0x0;
	[smem:$0x7FF] =	sst s4  }
0x8: {  	v0 =	vlaneseq.u32;
	s6 =	sadd.s32 $0x27AC800, s6;
	_ =	strace $0x80000047;
	s11 =	smov.u32 s5  }
.LBB2_1:
0x9: {  	s13 =	smul.u32 $0xD00, s12;
	_ =	sdelay $0x1  }
0xa: {  	s13 =	sadd.s32 s5, s13  }
0xb: {  	s14 =	sshrl.u32 s13, $0x3  }
0xc: {  	s14 =	sadd.s32 s1, s14  }
0xd: {  	v1 =	vor.u32 s11, v0;
	[tilespmem:s4], [sflag:$0x2] =	stream.linear.gather [hbm4b:s14+s4], $0xD00, $0x38;
	[tilespmem:$0xEA00] =	vst v63  }
0xe: {  	v2 =	vmulhi.u32 $0x4EC4EC4F, v1;
	_ =	swait.ge [sflag:s7], $0xD00  }
0xf: {  	[sflag:s7] =	ssyncset.done $0x0  }
0x10: {  	v2 =	vshrl.u32 v2, $0x3;
	s14 =	simm.s32 $0x0;
	[sflag:s7] =	ssyncadd.s32 $0xFFFFF300  }
0x11: {  	v3 =	vmul.u32 $0x1A, v2;
	v2 =	vld [tilespmem:s14+$0x0]  }
0x12: {  	s15 =	simm.s32 $0x40;
	s16 =	sadd.s32 $0x10, s11  }
.LBB2_2:
0x13: {  	p0 =	sne.s32 s15, $0x33C0;
	v3 =	vsub.s32 v1, v3;
	v1 =	vor.u32 s16, v0;
	s17 =	smov.u32 s15;
	s15 =	sadd.s32 $0x40, s15  }
.Ltmp0:
0x14: {  	v4 =	vmulhi.u32 $0x4EC4EC4F, v1;
	v3 =	vmul.u32 $0x186A0, v3;
	(pc) =	sbr.rel @p0 .LBB2_2-.Ltmp0, $4  }
0x15: {  	_ = 	snop  }
0x16: {  	s17 =	sshra.s32 s17, $0x2;
	v4 =	vshrl.u32 v4, $0x3;
	v5 =	vadd.s32 v3, v2  }
0x17: {  	v3 =	vmul.u32 $0x1A, v4;
	v2 =	vld [tilespmem:s17+$0x0];
	[tilespmem:s14+$0xD00] =	vst v5;
	s14 =	smov.u32 s17  }
0x18: {  	s16 =	sadd.s32 $0x10, s16  }
0x19: {  	v1 =	vsub.s32 v1, v3  }
0x1a: {  	v1 =	vmul.u32 $0x186A0, v1;
	_ =	sdelay $0x1  }
0x1b: {  	v1 =	vadd.s32 v1, v2  }
0x1c: {  	[tilespmem:s14+$0xD00] =	vst v1  }
0x1d: {  	[tilespmem:s9], [sflag:$0x1] =	stream.indirect.gather [hbm4b:s6+s8], $0x10, s8, s8, $0xb8;
	[tilespmem:$0xEA00] =	vst v63  }
0x1e: {  	s12 =	sadd.s32 $0x1, s12;
	_ =	swait.ge [sflag:s10], $0xD000  }
0x1f: {  	s13 =	sshll.u32 s13, $0x1;
	p0 =	sne.s32 s12, $0x8;
	[sflag:s10] =	ssyncset.done $0x0  }
.Ltmp1:
0x20: {  	s13 =	sadd.s32 s3, s13;
	[sflag:s10] =	ssyncadd.s32 $0xFFFF3000;
	(pc) =	sbr.rel @p0 .LBB2_1-.Ltmp1, $4  }
0x21: {  	[hbm4b:s13+s4] =	stream.linear.scatter [tilespmem:s9], [sflag:$0x2], $0xD000, $0x38;
	[tilespmem:$0xEA00] =	vst v63  }
0x22: {  	_ =	swait.ge [sflag:s7], $0xD000  }
0x23: {  	[sflag:s7] =	ssyncset.done $0x0  }
0x24: {  	s11 =	sadd.s32 $0xD00, s11;
	[sflag:s7] =	ssyncadd.s32 $0xFFFF3000  }
0x25: {  	_ =	sfence.sel $0x180000  }
0x26: {  	[bflag:$0x0] =	sbarrier.arrive $0xFFFF  }
0x27: {  	p0 =	sne.s32 s2, $0x0;
	_ =	strace $0x90000047  }
0x28: {  	s0 =	sadd.s32 @!p0 $0x100000, s0;
	[bflag:$0x2] =	sbarrier.arrive $0xFFFF  }
0x29: {  	[sflag:s0] =	ssyncadd.tile.s32 @!p0 $0x1;
	_ =	shalt  }
.Lfunc_end2:
_tile_overlayer_lowered:
.L_overlay_start_2:
0x2a: {  	(tag) =	ssettag $0x2  }
0x2b: {  	s0 =	rddreg [dreg:$0x0];
	s2 =	stileid.u32  }
0x2c: {  	s1 =	rddreg [dreg:$0x1];
	p0 =	sne.s32 s2, $0x0  }
0x2d: {  	s3 =	rddreg [dreg:$0x2];
	[bflag:$0x3] =	sbarrier.arrive $0xFFFF;
	s2 =	simm.s32 @!p0 $0x1C02  }
0x2e: {  	[timem:s3], [sflag:s2] =	dma.local @!p0 [hbm:s0], s1  }
0x2f: {  	s0 =	simm.s32 @!p0 $0x2  }
0x30: {  	_ =	swait.ge @!p0 [sflag:s0], s1  }
0x31: {  	s1 =	ssub.s32 @!p0 $0x0, s1;
	[sflag:s0] =	ssyncset.done @!p0 $0x0  }
0x32: {  	[sflag:s0] =	ssyncadd.s32 @!p0 s1  }
0x33: {  	[bflag:$0x3] =	sbarrier.arrive $0xFFFF  }
0x34: {  	_ =	shalt  }

</sc_bundles>
